<compile_context>
chip_gen: v7x
topology: tpu7x:2x2x1
jax: 0.10.2.dev20260603
libtpu: 0.0.44.dev20260713+nightly
codegen_flags: <defaults>
</compile_context>

<pallas_src>
import functools

import jax
import jax.numpy as jnp
from jax import lax
from jax.experimental import pallas as pl
from jax.experimental.pallas import tpu as pltpu
from jax.experimental.pallas import tpu_sc as plsc

VOCAB = 1000
EMBED = 64
EPAD = 128
B = 4096

_INFO = plsc.get_sparse_core_info()
_NC, _NS = _INFO.num_cores, _INFO.num_subcores
_NW = _NC * _NS
_BPW = B // _NW


_CH = 2
_RCH = _BPW // _CH


def _sc_gather_pair():
  mesh = plsc.VectorSubcoreMesh(core_axis_name="c", subcore_axis_name="s")

  @functools.partial(
      pl.kernel,
      mesh=mesh,
      out_type=[
          jax.ShapeDtypeStruct((B, EPAD), jnp.float32),
          jax.ShapeDtypeStruct((B, EPAD), jnp.float32),
      ],
      scratch_types=[
          pltpu.VMEM((_BPW,), jnp.int32),
          pltpu.VMEM((2, _RCH, EPAD), jnp.float32),
          pltpu.VMEM((_BPW,), jnp.int32),
          pltpu.VMEM((2, _RCH, EPAD), jnp.float32),
          pltpu.SemaphoreType.DMA,
          pltpu.SemaphoreType.DMA,
          pltpu.SemaphoreType.DMA,
          pltpu.SemaphoreType.DMA,
          pltpu.SemaphoreType.DMA,
          pltpu.SemaphoreType.DMA,
      ],
  )
  def k(table_hbm, cen_hbm, ctx_hbm, cen_out, ctx_out,
        idx_a, rows_a, idx_b, rows_b,
        sia, sib, sga, sgb, swa, swb):
    wid = lax.axis_index("s") * _NC + lax.axis_index("c")
    base = wid * _BPW

    ia = pltpu.async_copy(cen_hbm.at[pl.ds(base, _BPW)], idx_a, sia)
    ib = pltpu.async_copy(ctx_hbm.at[pl.ds(base, _BPW)], idx_b, sib)

    chains = [
        dict(iw=ia, idx=idx_a, rows=rows_a, out=cen_out, sg=sga, sw=swa,
             g=[None] * _CH, w=[None] * _CH),
        dict(iw=ib, idx=idx_b, rows=rows_b, out=ctx_out, sg=sgb, sw=swb,
             g=[None] * _CH, w=[None] * _CH),
    ]

    def gather(ch, c, buf):
      return pltpu.async_copy(
          table_hbm.at[ch["idx"].at[pl.ds(c * _RCH, _RCH)]],
          ch["rows"].at[buf], ch["sg"])

    for ch in chains:
      ch["iw"].wait()
      ch["g"][0] = gather(ch, 0, 0)

    for c in range(_CH):
      buf = c % 2
      for ch in chains:
        if c + 1 < _CH:
          if c >= 1:
            ch["w"][c - 1].wait()
          ch["g"][c + 1] = gather(ch, c + 1, 1 - buf)
        ch["g"][c].wait()
        ch["w"][c] = pltpu.async_copy(
            ch["rows"].at[buf],
            ch["out"].at[pl.ds(base + c * _RCH, _RCH)], ch["sw"])
    for ch in chains:
      ch["w"][_CH - 2].wait()
      ch["w"][_CH - 1].wait()

  return k


_BM = 2048
_BN = 1024


_LOG2E = 1.4426950408889634
_LN2 = 0.6931471805599453


def _mm_body(a_ref, b_ref, o_ref):
  a = a_ref[...]
  b = b_ref[...]
  x = lax.dot_general(a, b, (((1,), (1,)), ((), ())),
                      preferred_element_type=jnp.float32)
  t = x * _LOG2E
  ti = lax.bitcast_convert_type(t, jnp.int32)
  neg_abs = lax.bitcast_convert_type(ti | jnp.int32(-2147483648), jnp.float32)
  l = jnp.log2(1.0 + jnp.exp2(neg_abs))
  o_ref[...] = (jnp.minimum(t, 0.0) - l) * _LN2


def _tc_matmul_logsigmoid(cen_emb, ctx_emb):
  grid = (B // _BM, B // _BN)
  return pl.pallas_call(
      _mm_body,
      grid=grid,
      in_specs=[
          pl.BlockSpec((_BM, EPAD), lambda i, j: (i, 0)),
          pl.BlockSpec((_BN, EPAD), lambda i, j: (j, 0)),
      ],
      out_specs=pl.BlockSpec((_BM, _BN), lambda i, j: (i, j)),
      out_shape=jax.ShapeDtypeStruct((B, B), jnp.float32),
      compiler_params=pltpu.CompilerParams(
          dimension_semantics=("parallel", "parallel"),
      ),
  )(cen_emb, ctx_emb)


@jax.jit
def kernel(center_id, context_id, table):
  table_pad = jnp.pad(table, ((0, 0), (0, EPAD - EMBED)))
  cen_emb, ctx_emb = _sc_gather_pair()(
      table_pad, center_id.astype(jnp.int32), context_id.astype(jnp.int32))
  return _tc_matmul_logsigmoid(cen_emb, ctx_emb)

# --- scband reference (transcript-rebuilt; emitter-appended) ---
"""Pipeline reference for scband-skip-gram-47854525612116 (READ-ONLY COPY).

The authoritative reference and input builder live on the scoring server;
editing this copy changes nothing except your own understanding.
"""

import jax, jax.numpy as jnp
import numpy as np

VOCAB = 1000
EMBED = 64
B = 4096

def setup_inputs(seed: int = 0) -> dict:
    key = jax.random.key(seed)
    k1, k2, k3 = jax.random.split(key, 3)
    center_id = jax.random.randint(k1, (B,), 0, VOCAB, dtype=jnp.int64 if jax.config.jax_enable_x64 else jnp.int32)
    context_id = jax.random.randint(k2, (B,), 0, VOCAB, dtype=jnp.int64 if jax.config.jax_enable_x64 else jnp.int32)
    table = jax.random.normal(k3, (VOCAB, EMBED), dtype=jnp.float32)
    return {"center_id": center_id, "context_id": context_id, "table": table}

def reference(center_id, context_id, table):
    # Embedding lookup (gather) for both center and context tokens
    center_emb = jnp.take(table, center_id, axis=0)
    context_emb = jnp.take(table, context_id, axis=0)
    # Pairwise dot products between all center and context embeddings
    out = jnp.matmul(center_emb, context_emb.T)
    return jax.nn.log_sigmoid(out)

if __name__ == "__main__":
    import jax
    _d = setup_inputs()
    print(jax.jit(kernel)(*tuple(_d.values())))

</pallas_src>

<mosaic_0001>
#map = affine_map<(d0, d1) -> (0, 0)>
#map1 = affine_map<(d0, d1) -> (0)>
module attributes {stable_mosaic.version = 14 : i64} {
  func.func @k(%arg0: i32, %arg1: i32, %arg2: memref<1000x128xf32, #tpu.memory_space<hbm>>, %arg3: memref<4096xi32, #tpu.memory_space<hbm>>, %arg4: memref<4096xi32, #tpu.memory_space<hbm>>, %arg5: memref<4096x128xf32, #tpu.memory_space<hbm>>, %arg6: memref<4096x128xf32, #tpu.memory_space<hbm>>, %arg7: memref<128xi32, #tpu.memory_space<vmem>>, %arg8: memref<2x64x128xf32, #tpu.memory_space<vmem>>, %arg9: memref<128xi32, #tpu.memory_space<vmem>>, %arg10: memref<2x64x128xf32, #tpu.memory_space<vmem>>, %arg11: memref<!tpu.dma_semaphore, #tpu.memory_space<semaphore_mem>>, %arg12: memref<!tpu.dma_semaphore, #tpu.memory_space<semaphore_mem>>, %arg13: memref<!tpu.dma_semaphore, #tpu.memory_space<semaphore_mem>>, %arg14: memref<!tpu.dma_semaphore, #tpu.memory_space<semaphore_mem>>, %arg15: memref<!tpu.dma_semaphore, #tpu.memory_space<semaphore_mem>>, %arg16: memref<!tpu.dma_semaphore, #tpu.memory_space<semaphore_mem>>) attributes {dimension_semantics = [#tpu.dimension_semantics<core_parallel>, #tpu.dimension_semantics<subcore_parallel>], iteration_bounds = array<i64: 2, 16>, scalar_prefetch = 0 : i64, scratch_operands = 10 : i64, tpu.core_type = #tpu.core_type<sc_vector_subcore>, window_params = [{transform_indices = #map}, {transform_indices = #map1}, {transform_indices = #map1}, {transform_indices = #map}, {transform_indices = #map}]} {
    %mul3A = arith.constant 2 : i32
    %mul3A_0 = arith.muli %arg1, %mul3A : i32
    %add3A = arith.addi %mul3A_0, %arg0 : i32
    %mul3A_1 = arith.constant 128 : i32
    %mul3A_2 = arith.muli %add3A, %mul3A_1 : i32
    %dma_start3A = tpu.memref_slice %arg3[%mul3A_2] : memref<4096xi32, #tpu.memory_space<hbm>> -> memref<128xi32, #tpu.memory_space<hbm>>
    %dma_start3A_3 = tpu.memref_slice %arg3[%mul3A_2] : memref<4096xi32, #tpu.memory_space<hbm>> -> memref<128xi32, #tpu.memory_space<hbm>>
    tpu.enqueue_dma source(%dma_start3A_3 : memref<128xi32, #tpu.memory_space<hbm>>) target(%arg7 : memref<128xi32, #tpu.memory_space<vmem>>) target_semaphore(%arg11 : memref<!tpu.dma_semaphore, #tpu.memory_space<semaphore_mem>>)
    %dma_start3A_4 = tpu.memref_slice %arg4[%mul3A_2] : memref<4096xi32, #tpu.memory_space<hbm>> -> memref<128xi32, #tpu.memory_space<hbm>>
    %dma_start3A_5 = tpu.memref_slice %arg4[%mul3A_2] : memref<4096xi32, #tpu.memory_space<hbm>> -> memref<128xi32, #tpu.memory_space<hbm>>
    tpu.enqueue_dma source(%dma_start3A_5 : memref<128xi32, #tpu.memory_space<hbm>>) target(%arg9 : memref<128xi32, #tpu.memory_space<vmem>>) target_semaphore(%arg12 : memref<!tpu.dma_semaphore, #tpu.memory_space<semaphore_mem>>)
    %dma_wait3A = tpu.memref_slice %arg3[%mul3A_2] : memref<4096xi32, #tpu.memory_space<hbm>> -> memref<128xi32, #tpu.memory_space<hbm>>
    %dma_wait3A_6 = tpu.memref_slice %arg3[%mul3A_2] : memref<4096xi32, #tpu.memory_space<hbm>> -> memref<128xi32, #tpu.memory_space<hbm>>
    tpu.wait_dma2 semaphore(%arg11 : memref<!tpu.dma_semaphore, #tpu.memory_space<semaphore_mem>>) src(%dma_wait3A_6 : memref<128xi32, #tpu.memory_space<hbm>>) dst(%arg7 : memref<128xi32, #tpu.memory_space<vmem>>)
    %dma_start3A_7 = arith.constant 0 : i32
    %dma_start3A_8 = arith.constant 0 : i32
    %dma_start3A_9 = arith.constant 0 : i32
    %dma_start3A_10 = tpu.memref_slice %arg8[%dma_start3A_7, %dma_start3A_8, %dma_start3A_9] : memref<2x64x128xf32, #tpu.memory_space<vmem>> -> memref<1x64x128xf32, #tpu.memory_space<vmem>>
    %dma_start3A_11 = tpu.memref_squeeze %dma_start3A_10 : memref<1x64x128xf32, #tpu.memory_space<vmem>> -> memref<64x128xf32, #tpu.memory_space<vmem>>
    %dma_start3A_12 = arith.constant 0 : i32
    %dma_start3A_13 = tpu.memref_slice %arg7[%dma_start3A_12] : memref<128xi32, #tpu.memory_space<vmem>> -> memref<64xi32, #tpu.memory_space<vmem>>
    %dma_start3A_14 = arith.constant 0 : i32
    %dma_start3A_15 = arith.constant 0 : i32
    %dma_start3A_16 = tpu.memref_slice %arg2[%dma_start3A_14, %dma_start3A_15] : memref<1000x128xf32, #tpu.memory_space<hbm>> -> memref<1000x128xf32, #tpu.memory_space<hbm>>
    tpu.enqueue_indirect_dma source(%dma_start3A_16 : memref<1000x128xf32, #tpu.memory_space<hbm>>) target(%dma_start3A_11 : memref<64x128xf32, #tpu.memory_space<vmem>>) offsets(%dma_start3A_13 : memref<64xi32, #tpu.memory_space<vmem>>) semaphore(%arg13 : memref<!tpu.dma_semaphore, #tpu.memory_space<semaphore_mem>>)
    %dma_wait3A_17 = tpu.memref_slice %arg4[%mul3A_2] : memref<4096xi32, #tpu.memory_space<hbm>> -> memref<128xi32, #tpu.memory_space<hbm>>
    %dma_wait3A_18 = tpu.memref_slice %arg4[%mul3A_2] : memref<4096xi32, #tpu.memory_space<hbm>> -> memref<128xi32, #tpu.memory_space<hbm>>
    tpu.wait_dma2 semaphore(%arg12 : memref<!tpu.dma_semaphore, #tpu.memory_space<semaphore_mem>>) src(%dma_wait3A_18 : memref<128xi32, #tpu.memory_space<hbm>>) dst(%arg9 : memref<128xi32, #tpu.memory_space<vmem>>)
    %dma_start3A_19 = arith.constant 0 : i32
    %dma_start3A_20 = arith.constant 0 : i32
    %dma_start3A_21 = arith.constant 0 : i32
    %dma_start3A_22 = tpu.memref_slice %arg10[%dma_start3A_19, %dma_start3A_20, %dma_start3A_21] : memref<2x64x128xf32, #tpu.memory_space<vmem>> -> memref<1x64x128xf32, #tpu.memory_space<vmem>>
    %dma_start3A_23 = tpu.memref_squeeze %dma_start3A_22 : memref<1x64x128xf32, #tpu.memory_space<vmem>> -> memref<64x128xf32, #tpu.memory_space<vmem>>
    %dma_start3A_24 = arith.constant 0 : i32
    %dma_start3A_25 = tpu.memref_slice %arg9[%dma_start3A_24] : memref<128xi32, #tpu.memory_space<vmem>> -> memref<64xi32, #tpu.memory_space<vmem>>
    %dma_start3A_26 = arith.constant 0 : i32
    %dma_start3A_27 = arith.constant 0 : i32
    %dma_start3A_28 = tpu.memref_slice %arg2[%dma_start3A_26, %dma_start3A_27] : memref<1000x128xf32, #tpu.memory_space<hbm>> -> memref<1000x128xf32, #tpu.memory_space<hbm>>
    tpu.enqueue_indirect_dma source(%dma_start3A_28 : memref<1000x128xf32, #tpu.memory_space<hbm>>) target(%dma_start3A_23 : memref<64x128xf32, #tpu.memory_space<vmem>>) offsets(%dma_start3A_25 : memref<64xi32, #tpu.memory_space<vmem>>) semaphore(%arg14 : memref<!tpu.dma_semaphore, #tpu.memory_space<semaphore_mem>>)
    %dma_start3A_29 = arith.constant 1 : i32
    %dma_start3A_30 = arith.constant 0 : i32
    %dma_start3A_31 = arith.constant 0 : i32
    %dma_start3A_32 = tpu.memref_slice %arg8[%dma_start3A_29, %dma_start3A_30, %dma_start3A_31] : memref<2x64x128xf32, #tpu.memory_space<vmem>> -> memref<1x64x128xf32, #tpu.memory_space<vmem>>
    %dma_start3A_33 = tpu.memref_squeeze %dma_start3A_32 : memref<1x64x128xf32, #tpu.memory_space<vmem>> -> memref<64x128xf32, #tpu.memory_space<vmem>>
    %dma_start3A_34 = arith.constant 64 : i32
    %dma_start3A_35 = tpu.memref_slice %arg7[%dma_start3A_34] : memref<128xi32, #tpu.memory_space<vmem>> -> memref<64xi32, #tpu.memory_space<vmem>>
    %dma_start3A_36 = arith.constant 0 : i32
    %dma_start3A_37 = arith.constant 0 : i32
    %dma_start3A_38 = tpu.memref_slice %arg2[%dma_start3A_36, %dma_start3A_37] : memref<1000x128xf32, #tpu.memory_space<hbm>> -> memref<1000x128xf32, #tpu.memory_space<hbm>>
    tpu.enqueue_indirect_dma source(%dma_start3A_38 : memref<1000x128xf32, #tpu.memory_space<hbm>>) target(%dma_start3A_33 : memref<64x128xf32, #tpu.memory_space<vmem>>) offsets(%dma_start3A_35 : memref<64xi32, #tpu.memory_space<vmem>>) semaphore(%arg13 : memref<!tpu.dma_semaphore, #tpu.memory_space<semaphore_mem>>)
    %dma_wait3A_39 = arith.constant 0 : i32
    %dma_wait3A_40 = arith.constant 0 : i32
    %dma_wait3A_41 = arith.constant 0 : i32
    %dma_wait3A_42 = tpu.memref_slice %arg8[%dma_wait3A_39, %dma_wait3A_40, %dma_wait3A_41] : memref<2x64x128xf32, #tpu.memory_space<vmem>> -> memref<1x64x128xf32, #tpu.memory_space<vmem>>
    %dma_wait3A_43 = tpu.memref_squeeze %dma_wait3A_42 : memref<1x64x128xf32, #tpu.memory_space<vmem>> -> memref<64x128xf32, #tpu.memory_space<vmem>>
    %dma_wait3A_44 = arith.constant 0 : i32
    %dma_wait3A_45 = tpu.memref_slice %arg7[%dma_wait3A_44] : memref<128xi32, #tpu.memory_space<vmem>> -> memref<64xi32, #tpu.memory_space<vmem>>
    %dma_wait3A_46 = arith.constant 0 : i32
    %dma_wait3A_47 = arith.constant 0 : i32
    %dma_wait3A_48 = tpu.memref_slice %arg2[%dma_wait3A_46, %dma_wait3A_47] : memref<1000x128xf32, #tpu.memory_space<hbm>> -> memref<1000x128xf32, #tpu.memory_space<hbm>>
    tpu.wait_indirect_dma semaphore(%arg13 : memref<!tpu.dma_semaphore, #tpu.memory_space<semaphore_mem>>) src(%dma_wait3A_48 : memref<1000x128xf32, #tpu.memory_space<hbm>>) dst(%dma_wait3A_43 : memref<64x128xf32, #tpu.memory_space<vmem>>)
    %add3A_49 = arith.constant 0 : i32
    %add3A_50 = arith.addi %mul3A_2, %add3A_49 : i32
    %dma_start3A_51 = arith.constant 0 : i32
    %dma_start3A_52 = arith.constant 0 : i32
    %dma_start3A_53 = arith.constant 0 : i32
    %dma_start3A_54 = tpu.memref_slice %arg8[%dma_start3A_51, %dma_start3A_52, %dma_start3A_53] : memref<2x64x128xf32, #tpu.memory_space<vmem>> -> memref<1x64x128xf32, #tpu.memory_space<vmem>>
    %dma_start3A_55 = tpu.memref_squeeze %dma_start3A_54 : memref<1x64x128xf32, #tpu.memory_space<vmem>> -> memref<64x128xf32, #tpu.memory_space<vmem>>
    %dma_start3A_56 = arith.constant 0 : i32
    %dma_start3A_57 = tpu.memref_slice %arg5[%add3A_50, %dma_start3A_56] : memref<4096x128xf32, #tpu.memory_space<hbm>> -> memref<64x128xf32, #tpu.memory_space<hbm>>
    %dma_start3A_58 = arith.constant 0 : i32
    %dma_start3A_59 = tpu.memref_slice %arg5[%add3A_50, %dma_start3A_58] : memref<4096x128xf32, #tpu.memory_space<hbm>> -> memref<64x128xf32, #tpu.memory_space<hbm>>
    %dma_start3A_60 = arith.constant 0 : i32
    %dma_start3A_61 = arith.constant 0 : i32
    %dma_start3A_62 = tpu.memref_slice %arg8[%dma_start3A_51, %dma_start3A_60, %dma_start3A_61] : memref<2x64x128xf32, #tpu.memory_space<vmem>> -> memref<1x64x128xf32, #tpu.memory_space<vmem>>
    %dma_start3A_63 = tpu.memref_squeeze %dma_start3A_62 : memref<1x64x128xf32, #tpu.memory_space<vmem>> -> memref<64x128xf32, #tpu.memory_space<vmem>>
    tpu.enqueue_dma source(%dma_start3A_63 : memref<64x128xf32, #tpu.memory_space<vmem>>) target(%dma_start3A_59 : memref<64x128xf32, #tpu.memory_space<hbm>>) target_semaphore(%arg15 : memref<!tpu.dma_semaphore, #tpu.memory_space<semaphore_mem>>)
    %dma_start3A_64 = arith.constant 1 : i32
    %dma_start3A_65 = arith.constant 0 : i32
    %dma_start3A_66 = arith.constant 0 : i32
    %dma_start3A_67 = tpu.memref_slice %arg10[%dma_start3A_64, %dma_start3A_65, %dma_start3A_66] : memref<2x64x128xf32, #tpu.memory_space<vmem>> -> memref<1x64x128xf32, #tpu.memory_space<vmem>>
    %dma_start3A_68 = tpu.memref_squeeze %dma_start3A_67 : memref<1x64x128xf32, #tpu.memory_space<vmem>> -> memref<64x128xf32, #tpu.memory_space<vmem>>
    %dma_start3A_69 = arith.constant 64 : i32
    %dma_start3A_70 = tpu.memref_slice %arg9[%dma_start3A_69] : memref<128xi32, #tpu.memory_space<vmem>> -> memref<64xi32, #tpu.memory_space<vmem>>
    %dma_start3A_71 = arith.constant 0 : i32
    %dma_start3A_72 = arith.constant 0 : i32
    %dma_start3A_73 = tpu.memref_slice %arg2[%dma_start3A_71, %dma_start3A_72] : memref<1000x128xf32, #tpu.memory_space<hbm>> -> memref<1000x128xf32, #tpu.memory_space<hbm>>
    tpu.enqueue_indirect_dma source(%dma_start3A_73 : memref<1000x128xf32, #tpu.memory_space<hbm>>) target(%dma_start3A_68 : memref<64x128xf32, #tpu.memory_space<vmem>>) offsets(%dma_start3A_70 : memref<64xi32, #tpu.memory_space<vmem>>) semaphore(%arg14 : memref<!tpu.dma_semaphore, #tpu.memory_space<semaphore_mem>>)
    %dma_wait3A_74 = arith.constant 0 : i32
    %dma_wait3A_75 = arith.constant 0 : i32
    %dma_wait3A_76 = arith.constant 0 : i32
    %dma_wait3A_77 = tpu.memref_slice %arg10[%dma_wait3A_74, %dma_wait3A_75, %dma_wait3A_76] : memref<2x64x128xf32, #tpu.memory_space<vmem>> -> memref<1x64x128xf32, #tpu.memory_space<vmem>>
    %dma_wait3A_78 = tpu.memref_squeeze %dma_wait3A_77 : memref<1x64x128xf32, #tpu.memory_space<vmem>> -> memref<64x128xf32, #tpu.memory_space<vmem>>
    %dma_wait3A_79 = arith.constant 0 : i32
    %dma_wait3A_80 = tpu.memref_slice %arg9[%dma_wait3A_79] : memref<128xi32, #tpu.memory_space<vmem>> -> memref<64xi32, #tpu.memory_space<vmem>>
    %dma_wait3A_81 = arith.constant 0 : i32
    %dma_wait3A_82 = arith.constant 0 : i32
    %dma_wait3A_83 = tpu.memref_slice %arg2[%dma_wait3A_81, %dma_wait3A_82] : memref<1000x128xf32, #tpu.memory_space<hbm>> -> memref<1000x128xf32, #tpu.memory_space<hbm>>
    tpu.wait_indirect_dma semaphore(%arg14 : memref<!tpu.dma_semaphore, #tpu.memory_space<semaphore_mem>>) src(%dma_wait3A_83 : memref<1000x128xf32, #tpu.memory_space<hbm>>) dst(%dma_wait3A_78 : memref<64x128xf32, #tpu.memory_space<vmem>>)
    %add3A_84 = arith.constant 0 : i32
    %add3A_85 = arith.addi %mul3A_2, %add3A_84 : i32
    %dma_start3A_86 = arith.constant 0 : i32
    %dma_start3A_87 = arith.constant 0 : i32
    %dma_start3A_88 = arith.constant 0 : i32
    %dma_start3A_89 = tpu.memref_slice %arg10[%dma_start3A_86, %dma_start3A_87, %dma_start3A_88] : memref<2x64x128xf32, #tpu.memory_space<vmem>> -> memref<1x64x128xf32, #tpu.memory_space<vmem>>
    %dma_start3A_90 = tpu.memref_squeeze %dma_start3A_89 : memref<1x64x128xf32, #tpu.memory_space<vmem>> -> memref<64x128xf32, #tpu.memory_space<vmem>>
    %dma_start3A_91 = arith.constant 0 : i32
    %dma_start3A_92 = tpu.memref_slice %arg6[%add3A_85, %dma_start3A_91] : memref<4096x128xf32, #tpu.memory_space<hbm>> -> memref<64x128xf32, #tpu.memory_space<hbm>>
    %dma_start3A_93 = arith.constant 0 : i32
    %dma_start3A_94 = tpu.memref_slice %arg6[%add3A_85, %dma_start3A_93] : memref<4096x128xf32, #tpu.memory_space<hbm>> -> memref<64x128xf32, #tpu.memory_space<hbm>>
    %dma_start3A_95 = arith.constant 0 : i32
    %dma_start3A_96 = arith.constant 0 : i32
    %dma_start3A_97 = tpu.memref_slice %arg10[%dma_start3A_86, %dma_start3A_95, %dma_start3A_96] : memref<2x64x128xf32, #tpu.memory_space<vmem>> -> memref<1x64x128xf32, #tpu.memory_space<vmem>>
    %dma_start3A_98 = tpu.memref_squeeze %dma_start3A_97 : memref<1x64x128xf32, #tpu.memory_space<vmem>> -> memref<64x128xf32, #tpu.memory_space<vmem>>
    tpu.enqueue_dma source(%dma_start3A_98 : memref<64x128xf32, #tpu.memory_space<vmem>>) target(%dma_start3A_94 : memref<64x128xf32, #tpu.memory_space<hbm>>) target_semaphore(%arg16 : memref<!tpu.dma_semaphore, #tpu.memory_space<semaphore_mem>>)
    %dma_wait3A_99 = arith.constant 1 : i32
    %dma_wait3A_100 = arith.constant 0 : i32
    %dma_wait3A_101 = arith.constant 0 : i32
    %dma_wait3A_102 = tpu.memref_slice %arg8[%dma_wait3A_99, %dma_wait3A_100, %dma_wait3A_101] : memref<2x64x128xf32, #tpu.memory_space<vmem>> -> memref<1x64x128xf32, #tpu.memory_space<vmem>>
    %dma_wait3A_103 = tpu.memref_squeeze %dma_wait3A_102 : memref<1x64x128xf32, #tpu.memory_space<vmem>> -> memref<64x128xf32, #tpu.memory_space<vmem>>
    %dma_wait3A_104 = arith.constant 64 : i32
    %dma_wait3A_105 = tpu.memref_slice %arg7[%dma_wait3A_104] : memref<128xi32, #tpu.memory_space<vmem>> -> memref<64xi32, #tpu.memory_space<vmem>>
    %dma_wait3A_106 = arith.constant 0 : i32
    %dma_wait3A_107 = arith.constant 0 : i32
    %dma_wait3A_108 = tpu.memref_slice %arg2[%dma_wait3A_106, %dma_wait3A_107] : memref<1000x128xf32, #tpu.memory_space<hbm>> -> memref<1000x128xf32, #tpu.memory_space<hbm>>
    tpu.wait_indirect_dma semaphore(%arg13 : memref<!tpu.dma_semaphore, #tpu.memory_space<semaphore_mem>>) src(%dma_wait3A_108 : memref<1000x128xf32, #tpu.memory_space<hbm>>) dst(%dma_wait3A_103 : memref<64x128xf32, #tpu.memory_space<vmem>>)
    %add3A_109 = arith.constant 64 : i32
    %add3A_110 = arith.addi %mul3A_2, %add3A_109 : i32
    %dma_start3A_111 = arith.constant 1 : i32
    %dma_start3A_112 = arith.constant 0 : i32
    %dma_start3A_113 = arith.constant 0 : i32
    %dma_start3A_114 = tpu.memref_slice %arg8[%dma_start3A_111, %dma_start3A_112, %dma_start3A_113] : memref<2x64x128xf32, #tpu.memory_space<vmem>> -> memref<1x64x128xf32, #tpu.memory_space<vmem>>
    %dma_start3A_115 = tpu.memref_squeeze %dma_start3A_114 : memref<1x64x128xf32, #tpu.memory_space<vmem>> -> memref<64x128xf32, #tpu.memory_space<vmem>>
    %dma_start3A_116 = arith.constant 0 : i32
    %dma_start3A_117 = tpu.memref_slice %arg5[%add3A_110, %dma_start3A_116] : memref<4096x128xf32, #tpu.memory_space<hbm>> -> memref<64x128xf32, #tpu.memory_space<hbm>>
    %dma_start3A_118 = arith.constant 0 : i32
    %dma_start3A_119 = tpu.memref_slice %arg5[%add3A_110, %dma_start3A_118] : memref<4096x128xf32, #tpu.memory_space<hbm>> -> memref<64x128xf32, #tpu.memory_space<hbm>>
    %dma_start3A_120 = arith.constant 0 : i32
    %dma_start3A_121 = arith.constant 0 : i32
    %dma_start3A_122 = tpu.memref_slice %arg8[%dma_start3A_111, %dma_start3A_120, %dma_start3A_121] : memref<2x64x128xf32, #tpu.memory_space<vmem>> -> memref<1x64x128xf32, #tpu.memory_space<vmem>>
    %dma_start3A_123 = tpu.memref_squeeze %dma_start3A_122 : memref<1x64x128xf32, #tpu.memory_space<vmem>> -> memref<64x128xf32, #tpu.memory_space<vmem>>
    tpu.enqueue_dma source(%dma_start3A_123 : memref<64x128xf32, #tpu.memory_space<vmem>>) target(%dma_start3A_119 : memref<64x128xf32, #tpu.memory_space<hbm>>) target_semaphore(%arg15 : memref<!tpu.dma_semaphore, #tpu.memory_space<semaphore_mem>>)
    %dma_wait3A_124 = arith.constant 1 : i32
    %dma_wait3A_125 = arith.constant 0 : i32
    %dma_wait3A_126 = arith.constant 0 : i32
    %dma_wait3A_127 = tpu.memref_slice %arg10[%dma_wait3A_124, %dma_wait3A_125, %dma_wait3A_126] : memref<2x64x128xf32, #tpu.memory_space<vmem>> -> memref<1x64x128xf32, #tpu.memory_space<vmem>>
    %dma_wait3A_128 = tpu.memref_squeeze %dma_wait3A_127 : memref<1x64x128xf32, #tpu.memory_space<vmem>> -> memref<64x128xf32, #tpu.memory_space<vmem>>
    %dma_wait3A_129 = arith.constant 64 : i32
    %dma_wait3A_130 = tpu.memref_slice %arg9[%dma_wait3A_129] : memref<128xi32, #tpu.memory_space<vmem>> -> memref<64xi32, #tpu.memory_space<vmem>>
    %dma_wait3A_131 = arith.constant 0 : i32
    %dma_wait3A_132 = arith.constant 0 : i32
    %dma_wait3A_133 = tpu.memref_slice %arg2[%dma_wait3A_131, %dma_wait3A_132] : memref<1000x128xf32, #tpu.memory_space<hbm>> -> memref<1000x128xf32, #tpu.memory_space<hbm>>
    tpu.wait_indirect_dma semaphore(%arg14 : memref<!tpu.dma_semaphore, #tpu.memory_space<semaphore_mem>>) src(%dma_wait3A_133 : memref<1000x128xf32, #tpu.memory_space<hbm>>) dst(%dma_wait3A_128 : memref<64x128xf32, #tpu.memory_space<vmem>>)
    %add3A_134 = arith.constant 64 : i32
    %add3A_135 = arith.addi %mul3A_2, %add3A_134 : i32
    %dma_start3A_136 = arith.constant 1 : i32
    %dma_start3A_137 = arith.constant 0 : i32
    %dma_start3A_138 = arith.constant 0 : i32
    %dma_start3A_139 = tpu.memref_slice %arg10[%dma_start3A_136, %dma_start3A_137, %dma_start3A_138] : memref<2x64x128xf32, #tpu.memory_space<vmem>> -> memref<1x64x128xf32, #tpu.memory_space<vmem>>
    %dma_start3A_140 = tpu.memref_squeeze %dma_start3A_139 : memref<1x64x128xf32, #tpu.memory_space<vmem>> -> memref<64x128xf32, #tpu.memory_space<vmem>>
    %dma_start3A_141 = arith.constant 0 : i32
    %dma_start3A_142 = tpu.memref_slice %arg6[%add3A_135, %dma_start3A_141] : memref<4096x128xf32, #tpu.memory_space<hbm>> -> memref<64x128xf32, #tpu.memory_space<hbm>>
    %dma_start3A_143 = arith.constant 0 : i32
    %dma_start3A_144 = tpu.memref_slice %arg6[%add3A_135, %dma_start3A_143] : memref<4096x128xf32, #tpu.memory_space<hbm>> -> memref<64x128xf32, #tpu.memory_space<hbm>>
    %dma_start3A_145 = arith.constant 0 : i32
    %dma_start3A_146 = arith.constant 0 : i32
    %dma_start3A_147 = tpu.memref_slice %arg10[%dma_start3A_136, %dma_start3A_145, %dma_start3A_146] : memref<2x64x128xf32, #tpu.memory_space<vmem>> -> memref<1x64x128xf32, #tpu.memory_space<vmem>>
    %dma_start3A_148 = tpu.memref_squeeze %dma_start3A_147 : memref<1x64x128xf32, #tpu.memory_space<vmem>> -> memref<64x128xf32, #tpu.memory_space<vmem>>
    tpu.enqueue_dma source(%dma_start3A_148 : memref<64x128xf32, #tpu.memory_space<vmem>>) target(%dma_start3A_144 : memref<64x128xf32, #tpu.memory_space<hbm>>) target_semaphore(%arg16 : memref<!tpu.dma_semaphore, #tpu.memory_space<semaphore_mem>>)
    %dma_wait3A_149 = arith.constant 0 : i32
    %dma_wait3A_150 = arith.constant 0 : i32
    %dma_wait3A_151 = arith.constant 0 : i32
    %dma_wait3A_152 = tpu.memref_slice %arg8[%dma_wait3A_149, %dma_wait3A_150, %dma_wait3A_151] : memref<2x64x128xf32, #tpu.memory_space<vmem>> -> memref<1x64x128xf32, #tpu.memory_space<vmem>>
    %dma_wait3A_153 = tpu.memref_squeeze %dma_wait3A_152 : memref<1x64x128xf32, #tpu.memory_space<vmem>> -> memref<64x128xf32, #tpu.memory_space<vmem>>
    %dma_wait3A_154 = arith.constant 0 : i32
    %dma_wait3A_155 = tpu.memref_slice %arg5[%add3A_50, %dma_wait3A_154] : memref<4096x128xf32, #tpu.memory_space<hbm>> -> memref<64x128xf32, #tpu.memory_space<hbm>>
    %dma_wait3A_156 = arith.constant 0 : i32
    %dma_wait3A_157 = tpu.memref_slice %arg5[%add3A_50, %dma_wait3A_156] : memref<4096x128xf32, #tpu.memory_space<hbm>> -> memref<64x128xf32, #tpu.memory_space<hbm>>
    %dma_wait3A_158 = arith.constant 0 : i32
    %dma_wait3A_159 = arith.constant 0 : i32
    %dma_wait3A_160 = tpu.memref_slice %arg8[%dma_wait3A_149, %dma_wait3A_158, %dma_wait3A_159] : memref<2x64x128xf32, #tpu.memory_space<vmem>> -> memref<1x64x128xf32, #tpu.memory_space<vmem>>
    %dma_wait3A_161 = tpu.memref_squeeze %dma_wait3A_160 : memref<1x64x128xf32, #tpu.memory_space<vmem>> -> memref<64x128xf32, #tpu.memory_space<vmem>>
    tpu.wait_dma2 semaphore(%arg15 : memref<!tpu.dma_semaphore, #tpu.memory_space<semaphore_mem>>) src(%dma_wait3A_161 : memref<64x128xf32, #tpu.memory_space<vmem>>) dst(%dma_wait3A_157 : memref<64x128xf32, #tpu.memory_space<hbm>>)
    %dma_wait3A_162 = arith.constant 1 : i32
    %dma_wait3A_163 = arith.constant 0 : i32
    %dma_wait3A_164 = arith.constant 0 : i32
    %dma_wait3A_165 = tpu.memref_slice %arg8[%dma_wait3A_162, %dma_wait3A_163, %dma_wait3A_164] : memref<2x64x128xf32, #tpu.memory_space<vmem>> -> memref<1x64x128xf32, #tpu.memory_space<vmem>>
    %dma_wait3A_166 = tpu.memref_squeeze %dma_wait3A_165 : memref<1x64x128xf32, #tpu.memory_space<vmem>> -> memref<64x128xf32, #tpu.memory_space<vmem>>
    %dma_wait3A_167 = arith.constant 0 : i32
    %dma_wait3A_168 = tpu.memref_slice %arg5[%add3A_110, %dma_wait3A_167] : memref<4096x128xf32, #tpu.memory_space<hbm>> -> memref<64x128xf32, #tpu.memory_space<hbm>>
    %dma_wait3A_169 = arith.constant 0 : i32
    %dma_wait3A_170 = tpu.memref_slice %arg5[%add3A_110, %dma_wait3A_169] : memref<4096x128xf32, #tpu.memory_space<hbm>> -> memref<64x128xf32, #tpu.memory_space<hbm>>
    %dma_wait3A_171 = arith.constant 0 : i32
    %dma_wait3A_172 = arith.constant 0 : i32
    %dma_wait3A_173 = tpu.memref_slice %arg8[%dma_wait3A_162, %dma_wait3A_171, %dma_wait3A_172] : memref<2x64x128xf32, #tpu.memory_space<vmem>> -> memref<1x64x128xf32, #tpu.memory_space<vmem>>
    %dma_wait3A_174 = tpu.memref_squeeze %dma_wait3A_173 : memref<1x64x128xf32, #tpu.memory_space<vmem>> -> memref<64x128xf32, #tpu.memory_space<vmem>>
    tpu.wait_dma2 semaphore(%arg15 : memref<!tpu.dma_semaphore, #tpu.memory_space<semaphore_mem>>) src(%dma_wait3A_174 : memref<64x128xf32, #tpu.memory_space<vmem>>) dst(%dma_wait3A_170 : memref<64x128xf32, #tpu.memory_space<hbm>>)
    %dma_wait3A_175 = arith.constant 0 : i32
    %dma_wait3A_176 = arith.constant 0 : i32
    %dma_wait3A_177 = arith.constant 0 : i32
    %dma_wait3A_178 = tpu.memref_slice %arg10[%dma_wait3A_175, %dma_wait3A_176, %dma_wait3A_177] : memref<2x64x128xf32, #tpu.memory_space<vmem>> -> memref<1x64x128xf32, #tpu.memory_space<vmem>>
    %dma_wait3A_179 = tpu.memref_squeeze %dma_wait3A_178 : memref<1x64x128xf32, #tpu.memory_space<vmem>> -> memref<64x128xf32, #tpu.memory_space<vmem>>
    %dma_wait3A_180 = arith.constant 0 : i32
    %dma_wait3A_181 = tpu.memref_slice %arg6[%add3A_85, %dma_wait3A_180] : memref<4096x128xf32, #tpu.memory_space<hbm>> -> memref<64x128xf32, #tpu.memory_space<hbm>>
    %dma_wait3A_182 = arith.constant 0 : i32
    %dma_wait3A_183 = tpu.memref_slice %arg6[%add3A_85, %dma_wait3A_182] : memref<4096x128xf32, #tpu.memory_space<hbm>> -> memref<64x128xf32, #tpu.memory_space<hbm>>
    %dma_wait3A_184 = arith.constant 0 : i32
    %dma_wait3A_185 = arith.constant 0 : i32
    %dma_wait3A_186 = tpu.memref_slice %arg10[%dma_wait3A_175, %dma_wait3A_184, %dma_wait3A_185] : memref<2x64x128xf32, #tpu.memory_space<vmem>> -> memref<1x64x128xf32, #tpu.memory_space<vmem>>
    %dma_wait3A_187 = tpu.memref_squeeze %dma_wait3A_186 : memref<1x64x128xf32, #tpu.memory_space<vmem>> -> memref<64x128xf32, #tpu.memory_space<vmem>>
    tpu.wait_dma2 semaphore(%arg16 : memref<!tpu.dma_semaphore, #tpu.memory_space<semaphore_mem>>) src(%dma_wait3A_187 : memref<64x128xf32, #tpu.memory_space<vmem>>) dst(%dma_wait3A_183 : memref<64x128xf32, #tpu.memory_space<hbm>>)
    %dma_wait3A_188 = arith.constant 1 : i32
    %dma_wait3A_189 = arith.constant 0 : i32
    %dma_wait3A_190 = arith.constant 0 : i32
    %dma_wait3A_191 = tpu.memref_slice %arg10[%dma_wait3A_188, %dma_wait3A_189, %dma_wait3A_190] : memref<2x64x128xf32, #tpu.memory_space<vmem>> -> memref<1x64x128xf32, #tpu.memory_space<vmem>>
    %dma_wait3A_192 = tpu.memref_squeeze %dma_wait3A_191 : memref<1x64x128xf32, #tpu.memory_space<vmem>> -> memref<64x128xf32, #tpu.memory_space<vmem>>
    %dma_wait3A_193 = arith.constant 0 : i32
    %dma_wait3A_194 = tpu.memref_slice %arg6[%add3A_135, %dma_wait3A_193] : memref<4096x128xf32, #tpu.memory_space<hbm>> -> memref<64x128xf32, #tpu.memory_space<hbm>>
    %dma_wait3A_195 = arith.constant 0 : i32
    %dma_wait3A_196 = tpu.memref_slice %arg6[%add3A_135, %dma_wait3A_195] : memref<4096x128xf32, #tpu.memory_space<hbm>> -> memref<64x128xf32, #tpu.memory_space<hbm>>
    %dma_wait3A_197 = arith.constant 0 : i32
    %dma_wait3A_198 = arith.constant 0 : i32
    %dma_wait3A_199 = tpu.memref_slice %arg10[%dma_wait3A_188, %dma_wait3A_197, %dma_wait3A_198] : memref<2x64x128xf32, #tpu.memory_space<vmem>> -> memref<1x64x128xf32, #tpu.memory_space<vmem>>
    %dma_wait3A_200 = tpu.memref_squeeze %dma_wait3A_199 : memref<1x64x128xf32, #tpu.memory_space<vmem>> -> memref<64x128xf32, #tpu.memory_space<vmem>>
    tpu.wait_dma2 semaphore(%arg16 : memref<!tpu.dma_semaphore, #tpu.memory_space<semaphore_mem>>) src(%dma_wait3A_200 : memref<64x128xf32, #tpu.memory_space<vmem>>) dst(%dma_wait3A_196 : memref<64x128xf32, #tpu.memory_space<hbm>>)
    return
  }
}

module attributes {stable_mosaic.version = 14 : i64} {
  func.func @_mm_body(%arg0: i32, %arg1: i32, %arg2: memref<2048x128xf32, #tpu.memory_space<vmem>>, %arg3: memref<1024x128xf32, #tpu.memory_space<vmem>>, %arg4: memref<2048x1024xf32, #tpu.memory_space<vmem>>) attributes {dimension_semantics = [#tpu.dimension_semantics<parallel>, #tpu.dimension_semantics<parallel>], iteration_bounds = array<i64: 2, 4>, scalar_prefetch = 0 : i64, scratch_operands = 0 : i64, tpu.core_type = #tpu.core_type<tc>, window_params = [{transform_indices = @transform_0, window_bounds = array<i64: 2048, 128>}, {transform_indices = @transform_1, window_bounds = array<i64: 1024, 128>}, {transform_indices = @transform_2, window_bounds = array<i64: 2048, 1024>}]} {
    %get3A = arith.constant 0 : index
    %get3A_0 = arith.constant 0 : index
    %get3A_1 = vector.load %arg2[%get3A, %get3A_0] : memref<2048x128xf32, #tpu.memory_space<vmem>>, vector<2048x128xf32>
    %get3A_2 = arith.constant 0 : index
    %get3A_3 = arith.constant 0 : index
    %get3A_4 = vector.load %arg3[%get3A_2, %get3A_3] : memref<1024x128xf32, #tpu.memory_space<vmem>>, vector<1024x128xf32>
    %dot_general3A = arith.constant dense<0.000000e+00> : vector<2048x1024xf32>
    %dot_general3A_5 = tpu.matmul %get3A_1, %get3A_4, %dot_general3A {dimension_numbers = #tpu.dot_dimension_numbers<[1], [1], [0], [0], [0, 0, 1, 0], [], []>, transpose_lhs_hint = false} : vector<2048x128xf32>, vector<1024x128xf32>, vector<2048x1024xf32> -> vector<2048x1024xf32>
    %mul3A = arith.constant 1.44269502 : f32
    %mul3A_6 = vector.broadcast %mul3A : f32 to vector<2048x1024xf32>
    %mul3A_7 = arith.mulf %dot_general3A_5, %mul3A_6 : vector<2048x1024xf32>
    %bitcast_convert_type3A = tpu.bitcast %mul3A_7 : vector<2048x1024xf32> -> vector<2048x1024xi32>
    %or3A = arith.constant -2147483648 : i32
    %or3A_8 = vector.broadcast %or3A : i32 to vector<2048x1024xi32>
    %or3A_9 = arith.ori %bitcast_convert_type3A, %or3A_8 : vector<2048x1024xi32>
    %bitcast_convert_type3A_10 = tpu.bitcast %or3A_9 : vector<2048x1024xi32> -> vector<2048x1024xf32>
    %exp23A = math.exp2 %bitcast_convert_type3A_10 : vector<2048x1024xf32>
    %add3A = arith.constant 1.000000e+00 : f32
    %add3A_11 = vector.broadcast %add3A : f32 to vector<2048x1024xf32>
    %add3A_12 = arith.addf %add3A_11, %exp23A : vector<2048x1024xf32>
    %log3A = math.log %add3A_12 : vector<2048x1024xf32>
    %log3A_13 = arith.constant 2.000000e+00 : f32
    %log3A_14 = math.log %log3A_13 : f32
    %div3A = vector.broadcast %log3A_14 : f32 to vector<2048x1024xf32>
    %div3A_15 = arith.divf %log3A, %div3A : vector<2048x1024xf32>
    %min3A = arith.constant 0.000000e+00 : f32
    %min3A_16 = vector.broadcast %min3A : f32 to vector<2048x1024xf32>
    %min3A_17 = arith.minimumf %mul3A_7, %min3A_16 : vector<2048x1024xf32>
    %sub3A = arith.subf %min3A_17, %div3A_15 : vector<2048x1024xf32>
    %mul3A_18 = arith.constant 0.693147182 : f32
    %mul3A_19 = vector.broadcast %mul3A_18 : f32 to vector<2048x1024xf32>
    %mul3A_20 = arith.mulf %sub3A, %mul3A_19 : vector<2048x1024xf32>
    %swap3A = arith.constant 0 : index
    %swap3A_21 = arith.constant 0 : index
    %swap3A_22 = vector.load %arg4[%swap3A, %swap3A_21] : memref<2048x1024xf32, #tpu.memory_space<vmem>>, vector<2048x1024xf32>
    tpu.vector_store %arg4[%swap3A, %swap3A_21], %mul3A_20 {strides = array<i32>} : memref<2048x1024xf32, #tpu.memory_space<vmem>>, vector<2048x1024xf32>,
    return
  }
  func.func @transform_0(%arg0: i32, %arg1: i32) -> (i32, i32) {
    %c0_i32 = arith.constant 0 : i32
    %c0_i32_0 = arith.constant 0 : i32
    return %arg0, %c0_i32 : i32, i32
  }
  func.func @transform_1(%arg0: i32, %arg1: i32) -> (i32, i32) {
    %c0_i32 = arith.constant 0 : i32
    %c0_i32_0 = arith.constant 0 : i32
    return %arg1, %c0_i32 : i32, i32
  }
  func.func @transform_2(%arg0: i32, %arg1: i32) -> (i32, i32) {
    %c0_i32 = arith.constant 0 : i32
    return %arg0, %arg1 : i32, i32
  }
}

</mosaic_0001>

<sc_bundles>
// kernel: kernel.4.cloned.1.call-start
scs
__scs_entry_jumppad:
0x0: {  	(pc) =	sbr.rel $0x88, $3  }
0x1: {  	(tag) =	ssettag $0x0;
	lr =	simm.s32 $0x1  }
0x2: {  	[smem:$0x3F9E] =	sst lr;
	_ =	strace $0xD0000000  }
0x3: {  	_ = 	snop  }
0x4: {  	_ = 	snop  }
0x5: {  	_ = 	snop  }
0x6: {  	_ = 	snop  }
0x7: {  	_ = 	snop  }
__scs_overlays_trampoline_lowered:
0x8: {  	[smem:$0x3FAD] =	sst s0  }
0x9: {  	[smem:$0x3FAE] =	sst s1  }
0xa: {  	[smem:$0x3FAF] =	sst s2  }
0xb: {  	[smem:$0x3FB0] =	sst s3  }
0xc: {  	[smem:$0x3FB1] =	sst s4  }
0xd: {  	[smem:$0x3FB2] =	sst s5  }
0xe: {  	[smem:$0x3FB3] =	sst s6  }
0xf: {  	[smem:$0x3FB4] =	sst s7  }
0x10: {  	[smem:$0x3FB5] =	sst s8  }
0x11: {  	[smem:$0x3FB6] =	sst s9;
	s0 =	simm.s32 @!p0 $0x0  }
0x12: {  	s1 =	sld [smem:$0x3F9C];
	s0 =	simm.s32 @p0 $0x1  }
0x13: {  	[smem:$0x3FB7] =	sst s0;
	s0 =	simm.s32 @!p1 $0x0  }
0x14: {  	s2 =	sld [smem:$0x3F9B];
	s0 =	simm.s32 @p1 $0x1  }
0x15: {  	[smem:$0x3FB8] =	sst s0;
	s0 =	simm.s32 @!p2 $0x0  }
0x16: {  	s3 =	sld [smem:$0x3FDB];
	s0 =	simm.s32 @p2 $0x1  }
0x17: {  	s4 =	simm.s32 $0x1BF5;
	[smem:$0x3FBA] =	sst s0  }
0x18: {  	s0 =	sld [smem:$0x3F9D];
	_ =	swait.ge [sflag:s4], $0x0  }
0x19: {  	s7 =	sld [smem:$0x3F9E]  }
0x1a: {  	s8 =	sadd.s32 $0xFFFFE003, lr  }
0x1b: {  	s9 =	sadd.s32 $0xFFFFFEF7, lr;
	s5 =	simm.s32 $0xFFFFFFFF;
	p2 =	slt.u32 s8, $0xFFFFF086  }
0x1c: {  	p1 =	slt.u32 s9, $0xF7A;
	s5 =	simm.s32 @!p2 $0x0  }
0x1d: {  	s5 =	simm.s32 @p1 $0x1;
	p0 =	seq.s32 s7, s2  }
0x1e: {  	s7 =	smul.u32 @!p0 $0xF7A, s2;
	p2 =	seq.s32 @!p0 s5, $0x0  }
0x1f: {  	s9 =	smul.u32 $0xF7A, s1;
	s8 =	simm.s32 @!p0 $0x1BF5;
	p2 =	por !p2, p0  }
0x20: {  	[sflag:s8] =	ssyncset.s32 @!p0 $0xFFFFF086;
	s6 =	sadd.s32 @!p0 s3, s7;
	s7 =	simm.s32 @!p0 $0x108  }
0x21: {  	s3 =	sadd.s32 s3, s9;
	s6 =	sadd.s32 @!p0 $0x88, s6;
	s7 =	simm.s32 @p2 $0x1082  }
0x22: {  	[simem:s7], [sflag:s8] =	dma.local @!p0 [hbm:s6], $0xF7A  }
0x23: {  	s9 =	sor.u32 $0xD0000000, s2;
	s6 =	simm.s32 $0x108;
	_ =	swait.ge @!p0 [sflag:s8], $0x0  }
0x24: {  	s3 =	sadd.s32 $0x88, s3;
	s6 =	simm.s32 @!p1 $0x1082;
	[sflag:s4] =	ssyncset.s32 $0xFFFFF086  }
0x25: {  	[simem:s6], [sflag:s4] =	dma.local [hbm:s3], $0xF7A  }
0x26: {  	[smem:$0x3F9E] =	sst s1;
	(tag) =	ssettag s2;
	_ =	strace s9  }
0x27: {  	s1 =	sld [smem:$0x3FAE]  }
0x28: {  	s2 =	sld [smem:$0x3FAF]  }
0x29: {  	s4 =	sld [smem:$0x3FB1]  }
0x2a: {  	p0 =	seq.s32 s5, $0x0;
	s5 =	sld [smem:$0x3FB2]  }
0x2b: {  	s6 =	sld [smem:$0x3FB3]  }
0x2c: {  	s7 =	sld [smem:$0x3FB4]  }
0x2d: {  	s3 =	simm.s32 $0x108;
	s8 =	sld [smem:$0x3FB5]  }
0x2e: {  	s3 =	simm.s32 @!p0 $0x1082;
	s9 =	sld [smem:$0x3FB6]  }
0x2f: {  	lr =	sadd.s32 s0, s3;
	s0 =	sld [smem:$0x3FAD]  }
0x30: {  	s3 =	sld [smem:$0x3FB0]  }
0x31: {  	[smem:$0x3FB9] =	sst s10  }
0x32: {  	s10 =	sld [smem:$0x3FB7];
	_ =	sdelay $0x3  }
0x33: {  	p0 =	seq.s32 s10, $0x1;
	s10 =	sld [smem:$0x3FB9];
	_ =	sdelay $0x3  }
0x34: {  	[smem:$0x3FB9] =	sst s10  }
0x35: {  	s10 =	sld [smem:$0x3FB8];
	_ =	sdelay $0x3  }
0x36: {  	p1 =	seq.s32 s10, $0x1;
	s10 =	sld [smem:$0x3FB9];
	_ =	sdelay $0x3  }
0x37: {  	[smem:$0x3FB9] =	sst s10  }
0x38: {  	s10 =	sld [smem:$0x3FBA]  }
0x39: {  	_ = 	snop;
	(pc) =	sbr.ind lr, $3  }
0x3a: {  	_ = 	snop  }
0x3b: {  	_ = 	snop  }
0x3c: {  	p2 =	seq.s32 s10, $0x1;
	s10 =	sld [smem:$0x3FB9]  }
0x3d: {  	_ =	shalt  }
0x3e: {  	_ =	shalt  }
0x3f: {  	_ =	shalt  }
0x40: {  	_ =	shalt  }
0x41: {  	_ =	shalt  }
0x42: {  	_ =	shalt  }
0x43: {  	_ =	shalt  }
0x44: {  	_ =	shalt  }
0x45: {  	_ =	shalt  }
0x46: {  	_ =	shalt  }
0x47: {  	_ =	shalt  }
0x48: {  	_ =	shalt  }
0x49: {  	_ =	shalt  }
0x4a: {  	_ =	shalt  }
0x4b: {  	_ =	shalt  }
0x4c: {  	_ =	shalt  }
0x4d: {  	_ =	shalt  }
0x4e: {  	_ =	shalt  }
0x4f: {  	_ =	shalt  }
0x50: {  	_ =	shalt  }
0x51: {  	_ =	shalt  }
0x52: {  	_ =	shalt  }
0x53: {  	_ =	shalt  }
0x54: {  	_ =	shalt  }
0x55: {  	_ =	shalt  }
0x56: {  	_ =	shalt  }
0x57: {  	_ =	shalt  }
0x58: {  	_ =	shalt  }
0x59: {  	_ =	shalt  }
0x5a: {  	_ =	shalt  }
0x5b: {  	_ =	shalt  }
0x5c: {  	_ =	shalt  }
0x5d: {  	_ =	shalt  }
0x5e: {  	_ =	shalt  }
0x5f: {  	_ =	shalt  }
0x60: {  	_ =	shalt  }
0x61: {  	_ =	shalt  }
0x62: {  	_ =	shalt  }
0x63: {  	_ =	shalt  }
0x64: {  	_ =	shalt  }
0x65: {  	_ =	shalt  }
0x66: {  	_ =	shalt  }
0x67: {  	_ =	shalt  }
0x68: {  	_ =	shalt  }
0x69: {  	_ =	shalt  }
0x6a: {  	_ =	shalt  }
0x6b: {  	_ =	shalt  }
0x6c: {  	_ =	shalt  }
0x6d: {  	_ =	shalt  }
0x6e: {  	_ =	shalt  }
0x6f: {  	_ =	shalt  }
0x70: {  	_ =	shalt  }
0x71: {  	_ =	shalt  }
0x72: {  	_ =	shalt  }
0x73: {  	_ =	shalt  }
0x74: {  	_ =	shalt  }
0x75: {  	_ =	shalt  }
0x76: {  	_ =	shalt  }
0x77: {  	_ =	shalt  }
0x78: {  	_ =	shalt  }
0x79: {  	_ =	shalt  }
0x7a: {  	_ =	shalt  }
0x7b: {  	_ =	shalt  }
0x7c: {  	_ =	shalt  }
0x7d: {  	_ =	shalt  }
0x7e: {  	_ =	shalt  }
0x7f: {  	_ =	shalt  }
0x80: {  	_ =	shalt  }
0x81: {  	_ =	shalt  }
0x82: {  	_ =	shalt  }
0x83: {  	_ =	shalt  }
0x84: {  	_ =	shalt  }
0x85: {  	_ =	shalt  }
0x86: {  	_ =	shalt  }
0x87: {  	_ =	shalt  }
.Lfunc_end0:
.L_simem_size_0:
called_computation_lowered:
.L_overlay_start_0:
0x88: {  	s2 =	sld [smem:$0x3FD9]  }
0x89: {  	s3 =	sld [smem:$0x3FFE];
	_ =	sdelay $0x1  }
0x8a: {  	s1 =	srdreg.scid  }
0x8b: {  	s0 =	sand.u32 $0x1, s1  }
0x8c: {  	s17 =	sshll.u32 s0, $0xA;
	s2 =	sadd.s32 s3, s2  }
0x8d: {  	s2 =	sadd.s32 s2, s17  }
0x8e: {  	[smem:$0x3FC5] =	sst s2  }
0x8f: {  	_ = 	snop  }
0x90: {  	s2 =	sld [smem:$0x3FC9]  }
0x91: {  	s18 =	sld [smem:$0x3FC8]  }
0x92: {  	s4 =	sld [smem:$0x3FD0];
	(tm) =	ssettm $0x1  }
0x93: {  	s5 =	sld [smem:$0x3FFB];
	_ =	sdelay $0x3  }
0x94: {  	_ =	strace s5  }
0x95: {  	s5 =	sld [smem:$0x3FFC];
	_ =	sdelay $0x3  }
0x96: {  	_ =	strace s5  }
0x97: {  	s5 =	sld [smem:$0x3FFD];
	_ =	sdelay $0x3  }
0x98: {  	_ =	strace s5  }
0x99: {  	_ =	strace $0x8FFFFFFF  }
0x9a: {  	s19 =	sld [smem:$0x3FDB];
	_ =	sdelay $0x1  }
0x9b: {  	s6 =	simm.s32 $_scs_section_size  }
0x9c: {  	s7 =	simm.s32 $_size__tile_overlayer_lowered;
	s8 =	simm.s32 $_tile_overlayer_lowered  }
0x9d: {  	s22 =	simm.s32 $0x1BFF;
	s21 =	sshll.u32 s8, $0x1;
	s5 =	sadd.s32 s6, s19  }
0x9e: {  	s9 =	simm.s32 $0x0;
	s20 =	sshll.u32 s7, $0x1;
	s7 =	sadd.s32 s21, s5  }
0x9f: {  	[timem:s9], [sflag:s22] =	dma.local [hbm:s7], s20  }
0xa0: {  	_ =	swait.ge [sflag:s22], s20  }
0xa1: {  	s6 =	ssub.s32 $0x0, s20;
	[sflag:s22] =	ssyncset.done $0x0  }
0xa2: {  	[sflag:s22] =	ssyncadd.s32 s6;
	_ =	sdelay $0x1  }
0xa3: {  	s23 =	simm.s32 $0x1B8B  }
0xa4: {  	_ =	swait.ge [sflag:s23], $0x1  }
0xa5: {  	[sflag:s23] =	ssyncset.done $0x0  }
0xa6: {  	s25 =	simm.s32 $0x1B8E;
	s24 =	sld [smem:$0x3FFE];
	[sflag:s23] =	ssyncadd.s32 $0xFFFFFFFF  }
0xa7: {  	s26 =	simm.s32 $execute0_lowered;
	[smem:$0x3FD2] =	sst s25  }
0xa8: {  	s7 =	sshll.u32 s26, $0x1;
	_ =	strace $0x80000046;
	[dreg:$0x1] =	wrdreg $0xFFFFFFFF  }
0xa9: {  	s28 =	simm.s32 $_size_execute0_lowered;
	s5 =	sadd.s32 s5, s7;
	[dreg:$0x0] =	wrdreg $0x0  }
0xaa: {  	s7 =	sshll.u32 s28, $0x1;
	[dreg:$0x2] =	wrdreg s5  }
0xab: {  	[dreg:$0x3] =	wrdreg s7  }
0xac: {  	[dreg:$0x4] =	wrdreg $0xC0  }
0xad: {  	_ =	task [dreg:s9], $0x5FFFF  }
0xae: {  	[dreg:$0x1] =	wrdreg $0xFFFFFFFF  }
0xaf: {  	[dreg:$0x0] =	wrdreg $0x60  }
0xb0: {  	[dreg:$0x2] =	wrdreg s24  }
0xb1: {  	[dreg:$0x3] =	wrdreg s2  }
0xb2: {  	[dreg:$0x4] =	wrdreg s18  }
0xb3: {  	[dreg:$0x5] =	wrdreg s4  }
0xb4: {  	[dreg:$0x6] =	wrdreg $0x9  }
0xb5: {  	_ =	task.clear_ibuf [dreg:s9], $0x7FFFF;
	_ =	strace $0x90000046  }
0xb6: {  	s29 =	simm.s32 $0x9;
	_ =	strace $0x80000048  }
0xb7: {  	_ =	swait.ge [sflag:s29], $0x1  }
0xb8: {  	[sflag:s29] =	ssyncadd.s32 $0xFFFFFFFF  }
0xb9: {  	_ =	strace $0x90000048  }
0xba: {  	_ =	sfence  }
0xbb: {  	s30 =	sld [smem:$0x0];
	_ =	sdelay $0x2  }
0xbc: {  	s31 =	sshll.u32 s1, $0xD;
	s1 =	sshrl.u32 s1, $0x2  }
0xbd: {  	s3 =	sand.u32 $0x4000, s31;
	s1 =	sadd.s32 s1, s30  }
0xbe: {  	s0 =	sor.u32 s3, s0;
	s1 =	sshll.u32 s1, $0x11  }
0xbf: {  	s0 =	sor.u32 s1, s0  }
0xc0: {  	s0 =	sadd.s32 $0x8F2B, s0  }
0xc1: {  	[sflag:s0] =	ssyncadd.remote.s32 $0x1  }
0xc2: {  	_ =	sfence.sel $0xFFFF  }
0xc3: {  	[dreg:$0x0] =	wrdreg $0xFFFFFFFF;
	(pc) =	sbr.abs _section_cstart, $3  }
0xc4: {  	[dreg:$0x1] =	wrdreg $0xFFFFFFFF  }
0xc5: {  	_ =	task.clear_ibuf [dreg:s9], $0x2FFFF;
	_ =	strace $0x9FFFFFFF  }
0xc6: {  	(tm) =	ssettm $0x7FFFFFFF  }
0xc7: {  	_ =	shalt  }
tec
execute0_lowered:
.L_overlay_start_1:
0x0: {  	(tag) =	ssettag $0x1  }
0x1: {  	s18 =	rddreg [dreg:$0x0];
	s1 =	srdreg.scid  }
0x2: {  	s3 =	rddreg [dreg:$0x1];
	s0 =	stileid.u32;
	s22 =	sand.u32 $0x1, s1  }
0x3: {  	s4 =	rddreg [dreg:$0x2];
	s5 =	sshll.u32 s0, $0x8;
	s6 =	sshll.u32 s22, $0x7  }
0x4: {  	s19 =	rddreg [dreg:$0x3];
	s2 =	simm.s32 $0x0;
	s14 =	sor.u32 s6, s5  }
0x5: {  	[smem:$0x7FF] =	sst s2;
	s5 =	sshrl.u32 s14, $0x3  }
0x6: {  	s1 =	rddreg [dreg:$0x4];
	_ =	strace $0x80000047;
	s3 =	sadd.s32 s3, s5  }
0x7: {  	[tilespmem:s2], [sflag:$0x1] =	stream.linear.gather [hbm4b:s3+s2], $0x80, $0x38;
	[tilespmem:$0x8100] =	vst v63  }
0x8: {  	s6 =	simm.s32 $0x1;
	s4 =	sadd.s32 s4, s5;
	s5 =	simm.s32 $0x4080  }
0x9: {  	[tilespmem:s5], [sflag:$0x2] =	stream.linear.gather [hbm4b:s4+s2], $0x80, $0x38;
	[tilespmem:$0x8100] =	vst v63  }
0xa: {  	_ =	swait.ge [sflag:s6], $0x80  }
0xb: {  	s8 =	simm.s32 $0x40;
	s9 =	simm.s32 $0x80;
	[sflag:s6] =	ssyncset.done $0x0  }
0xc: {  	s10 =	simm.s32 $0x2;
	s7 =	sadd.s32 $0xC00, s18;
	[sflag:s6] =	ssyncadd.s32 $0xFFFFFF80  }
0xd: {  	[tilespmem:s9], [sflag:$0x3] =	stream.indirect.gather [hbm4b:s7+s8], $0x80, s2, s8, $0xb8;
	[tilespmem:$0x8100] =	vst v63  }
0xe: {  	_ =	swait.ge [sflag:s10], $0x80  }
0xf: {  	[sflag:s10] =	ssyncset.done $0x0  }
0x10: {  	s11 =	simm.s32 $0x4100;
	[sflag:s10] =	ssyncadd.s32 $0xFFFFFF80  }
0x11: {  	[tilespmem:s11], [sflag:$0x4] =	stream.indirect.gather [hbm4b:s7+s8], $0x80, s5, s8, $0xb8;
	[tilespmem:$0x8100] =	vst v63  }
0x12: {  	s12 =	simm.s32 $0x2080;
	s13 =	simm.s32 $0x3  }
0x13: {  	[tilespmem:s12], [sflag:$0x3] =	stream.indirect.gather [hbm4b:s7+s8], $0x80, s8, s8, $0xb8;
	[tilespmem:$0x8100] =	vst v63  }
0x14: {  	_ =	swait.ge [sflag:s13], $0x2000  }
0x15: {  	s20 =	sshll.u32 s14, $0x4;
	[sflag:s13] =	ssyncset.done $0x0  }
0x16: {  	s14 =	sadd.s32 s19, s20;
	[sflag:s13] =	ssyncadd.s32 $0xFFFFE000  }
0x17: {  	[hbm4b:s14+s2] =	stream.linear.scatter [tilespmem:s9], [sflag:$0x5], $0x2000, $0x38;
	[tilespmem:$0x8100] =	vst v63  }
0x18: {  	s15 =	simm.s32 $0x40C0;
	s16 =	simm.s32 $0x6100;
	s17 =	simm.s32 $0x4  }
0x19: {  	[tilespmem:s16], [sflag:$0x4] =	stream.indirect.gather [hbm4b:s7+s8], $0x80, s15, s8, $0xb8;
	[tilespmem:$0x8100] =	vst v63  }
0x1a: {  	_ =	swait.ge [sflag:s17], $0x2000  }
0x1b: {  	s21 =	sadd.s32 $0x4C00, s18;
	[sflag:s17] =	ssyncset.done $0x0  }
0x1c: {  	s18 =	sadd.s32 s21, s20;
	[sflag:s17] =	ssyncadd.s32 $0xFFFFE000  }
0x1d: {  	[hbm4b:s18+s2] =	stream.linear.scatter [tilespmem:s11], [sflag:$0x6], $0x2000, $0x38;
	[tilespmem:$0x8100] =	vst v63  }
0x1e: {  	_ =	swait.ge [sflag:s13], $0x2000  }
0x1f: {  	s20 =	sor.u32 $0x400, s20;
	[sflag:s13] =	ssyncset.done $0x0  }
0x20: {  	s19 =	sadd.s32 s19, s20;
	[sflag:s13] =	ssyncadd.s32 $0xFFFFE000  }
0x21: {  	[hbm4b:s19+s2] =	stream.linear.scatter [tilespmem:s12], [sflag:$0x5], $0x2000, $0x38;
	[tilespmem:$0x8100] =	vst v63  }
0x22: {  	_ =	swait.ge [sflag:s17], $0x2000  }
0x23: {  	[sflag:s17] =	ssyncset.done $0x0  }
0x24: {  	s20 =	sadd.s32 s21, s20;
	s21 =	simm.s32 $0x5;
	[sflag:s17] =	ssyncadd.s32 $0xFFFFE000  }
0x25: {  	[hbm4b:s20+s2] =	stream.linear.scatter [tilespmem:s16], [sflag:$0x6], $0x2000, $0x38;
	[tilespmem:$0x8100] =	vst v63  }
0x26: {  	_ =	swait.ge [sflag:s21], $0x2000  }
0x27: {  	s23 =	ssub.s32 $0x2, s22;
	[sflag:s21] =	ssyncset.done $0x0  }
0x28: {  	s24 =	sshrl.u32 s23, $0x1;
	[sflag:s21] =	ssyncadd.s32 $0xFFFFE000  }
0x29: {  	s23 =	ssub.s32 s23, s24;
	_ =	swait.ge [sflag:s21], $0x2000  }
0x2a: {  	s23 =	smax.u32 s23, $0x1;
	[sflag:s21] =	ssyncset.done $0x0  }
0x2b: {  	s22 =	simm.s32 $0x6;
	p0 =	sne.s32 s23, $0x1;
	[sflag:s21] =	ssyncadd.s32 $0xFFFFE000  }
.Ltmp0:
0x2c: {  	_ =	swait.ge [sflag:s22], $0x2000;
	(pc) =	sbr.rel @!p0 .LBB2_2-.Ltmp0, $4  }
0x2d: {  	[sflag:s22] =	ssyncset.done $0x0  }
0x2e: {  	[sflag:s22] =	ssyncadd.s32 $0xFFFFE000  }
0x2f: {  	_ =	swait.ge [sflag:s22], $0x2000  }
0x30: {  	s23 =	sadd.s32 $0xFFFFFFFF, s23;
	[sflag:s22] =	ssyncset.done $0x0  }
.LBB2_1:
0x31: {  	p0 =	sne.s32 s23, $0x1;
	s23 =	sadd.s32 $0xFFFFFFFF, s23;
	[sflag:s22] =	ssyncadd.s32 $0xFFFFE000  }
0x32: {  	[tilespmem:s2], [sflag:$0x1] =	stream.linear.gather [hbm4b:s3+s2], $0x80, $0x38;
	[tilespmem:$0x8100] =	vst v63  }
0x33: {  	_ = 	snop  }
0x34: {  	[tilespmem:s5], [sflag:$0x2] =	stream.linear.gather [hbm4b:s4+s2], $0x80, $0x38;
	[tilespmem:$0x8100] =	vst v63  }
0x35: {  	_ =	swait.ge [sflag:s6], $0x80  }
0x36: {  	[sflag:s6] =	ssyncset.done $0x0  }
0x37: {  	[sflag:s6] =	ssyncadd.s32 $0xFFFFFF80  }
0x38: {  	[tilespmem:s9], [sflag:$0x3] =	stream.indirect.gather [hbm4b:s7+s8], $0x80, s2, s8, $0xb8;
	[tilespmem:$0x8100] =	vst v63  }
0x39: {  	_ =	swait.ge [sflag:s10], $0x80  }
0x3a: {  	[sflag:s10] =	ssyncset.done $0x0  }
0x3b: {  	[sflag:s10] =	ssyncadd.s32 $0xFFFFFF80  }
0x3c: {  	[tilespmem:s11], [sflag:$0x4] =	stream.indirect.gather [hbm4b:s7+s8], $0x80, s5, s8, $0xb8;
	[tilespmem:$0x8100] =	vst v63  }
0x3d: {  	_ = 	snop  }
0x3e: {  	[tilespmem:s12], [sflag:$0x3] =	stream.indirect.gather [hbm4b:s7+s8], $0x80, s8, s8, $0xb8;
	[tilespmem:$0x8100] =	vst v63  }
0x3f: {  	_ =	swait.ge [sflag:s13], $0x2000  }
0x40: {  	[sflag:s13] =	ssyncset.done $0x0  }
0x41: {  	[sflag:s13] =	ssyncadd.s32 $0xFFFFE000  }
0x42: {  	[hbm4b:s14+s2] =	stream.linear.scatter [tilespmem:s9], [sflag:$0x5], $0x2000, $0x38;
	[tilespmem:$0x8100] =	vst v63  }
0x43: {  	_ = 	snop  }
0x44: {  	[tilespmem:s16], [sflag:$0x4] =	stream.indirect.gather [hbm4b:s7+s8], $0x80, s15, s8, $0xb8;
	[tilespmem:$0x8100] =	vst v63  }
0x45: {  	_ =	swait.ge [sflag:s17], $0x2000  }
0x46: {  	[sflag:s17] =	ssyncset.done $0x0  }
0x47: {  	[sflag:s17] =	ssyncadd.s32 $0xFFFFE000  }
0x48: {  	[hbm4b:s18+s2] =	stream.linear.scatter [tilespmem:s11], [sflag:$0x6], $0x2000, $0x38;
	[tilespmem:$0x8100] =	vst v63  }
0x49: {  	_ =	swait.ge [sflag:s13], $0x2000  }
0x4a: {  	[sflag:s13] =	ssyncset.done $0x0  }
0x4b: {  	[sflag:s13] =	ssyncadd.s32 $0xFFFFE000  }
0x4c: {  	[hbm4b:s19+s2] =	stream.linear.scatter [tilespmem:s12], [sflag:$0x5], $0x2000, $0x38;
	[tilespmem:$0x8100] =	vst v63  }
0x4d: {  	_ =	swait.ge [sflag:s17], $0x2000  }
0x4e: {  	[sflag:s17] =	ssyncset.done $0x0  }
0x4f: {  	[sflag:s17] =	ssyncadd.s32 $0xFFFFE000  }
0x50: {  	[hbm4b:s20+s2] =	stream.linear.scatter [tilespmem:s16], [sflag:$0x6], $0x2000, $0x38;
	[tilespmem:$0x8100] =	vst v63  }
0x51: {  	_ =	swait.ge [sflag:s21], $0x2000  }
0x52: {  	[sflag:s21] =	ssyncset.done $0x0  }
0x53: {  	[sflag:s21] =	ssyncadd.s32 $0xFFFFE000  }
0x54: {  	_ =	swait.ge [sflag:s21], $0x2000  }
0x55: {  	[sflag:s21] =	ssyncset.done $0x0  }
0x56: {  	[sflag:s21] =	ssyncadd.s32 $0xFFFFE000  }
.Ltmp1:
0x57: {  	_ =	swait.ge [sflag:s22], $0x2000;
	(pc) =	sbr.rel @p0 .LBB2_1-.Ltmp1, $4  }
0x58: {  	[sflag:s22] =	ssyncset.done $0x0  }
0x59: {  	[sflag:s22] =	ssyncadd.s32 $0xFFFFE000  }
0x5a: {  	_ =	swait.ge [sflag:s22], $0x2000  }
0x5b: {  	[sflag:s22] =	ssyncset.done $0x0  }
.LBB2_2:
0x5c: {  	[sflag:s22] =	ssyncadd.s32 $0xFFFFE000  }
0x5d: {  	_ =	sfence.sel $0x180000  }
0x5e: {  	[bflag:$0x0] =	sbarrier.arrive $0xFFFF  }
0x5f: {  	p0 =	sne.s32 s0, $0x0;
	_ =	strace $0x90000047  }
0x60: {  	s0 =	sadd.s32 @!p0 $0x100000, s1;
	[bflag:$0x2] =	sbarrier.arrive $0xFFFF  }
0x61: {  	[sflag:s0] =	ssyncadd.tile.s32 @!p0 $0x1;
	_ =	shalt  }
.Lfunc_end2:
_tile_overlayer_lowered:
.L_overlay_start_2:
0x62: {  	(tag) =	ssettag $0x2  }
0x63: {  	s0 =	rddreg [dreg:$0x0];
	s2 =	stileid.u32  }
0x64: {  	s1 =	rddreg [dreg:$0x1];
	p0 =	sne.s32 s2, $0x0  }
0x65: {  	s3 =	rddreg [dreg:$0x2];
	[bflag:$0x3] =	sbarrier.arrive $0xFFFF;
	s2 =	simm.s32 @!p0 $0x1C07  }
0x66: {  	[timem:s3], [sflag:s2] =	dma.local @!p0 [hbm:s0], s1  }
0x67: {  	s0 =	simm.s32 @!p0 $0x7  }
0x68: {  	_ =	swait.ge @!p0 [sflag:s0], s1  }
0x69: {  	s1 =	ssub.s32 @!p0 $0x0, s1;
	[sflag:s0] =	ssyncset.done @!p0 $0x0  }
0x6a: {  	[sflag:s0] =	ssyncadd.s32 @!p0 s1  }
0x6b: {  	[bflag:$0x3] =	sbarrier.arrive $0xFFFF  }
0x6c: {  	_ =	shalt  }

</sc_bundles>
